<compile_context>
chip_gen: v7x
topology: tpu7x:2x2x1
jax: 0.10.2.dev20260603
libtpu: 0.0.44.dev20260713+nightly
codegen_flags: <defaults>
</compile_context>

<pallas_src>
import functools

import jax
import jax.numpy as jnp
from jax import lax
from jax.experimental import pallas as pl
from jax.experimental.pallas import tpu as pltpu
from jax.experimental.pallas import tpu_sc as plsc

NUM_CLASSES = 1000
D = 256
B = 4096
KPAD = 1024
BB = 512

NC = 2
NS = 16
L = 16
NW = NC * NS

S = 1024
BPW = S // NW
SOFF = S // BB
NBLK_TC = (B - S) // BB


@functools.partial(
    pl.kernel,
    mesh=plsc.VectorSubcoreMesh(core_axis_name="c", subcore_axis_name="s"),
    out_type=jax.ShapeDtypeStruct((NW, L), jnp.float32),
    scratch_types=[
        pltpu.VMEM((BPW,), jnp.int32),
        pltpu.VMEM((BPW, D), jnp.float32),
        pltpu.VMEM((BPW, D), jnp.float32),
        pltpu.VMEM((L,), jnp.float32),
        pltpu.SemaphoreType.DMA,
    ],
)
def _sc_partials(x_hbm, labels_hbm, centers_hbm, out_hbm,
                 idx_v, rows_v, x_v, acc_v, sem):
    wid = lax.axis_index("s") * NC + lax.axis_index("c")
    base = wid * BPW
    pltpu.sync_copy(labels_hbm.at[pl.ds(base, BPW)], idx_v)
    gather = pltpu.async_copy(centers_hbm.at[idx_v], rows_v, sem)
    pltpu.sync_copy(x_hbm.at[pl.ds(base, BPW)], x_v)
    gather.wait()

    def row_body(r, acc):
        for j in range(D // L):
            xv = x_v[r, pl.ds(j * L, L)]
            gv = rows_v[r, pl.ds(j * L, L)]
            dv = xv - gv
            acc = acc + dv * dv
        return acc

    acc = lax.fori_loop(0, BPW, row_body, jnp.zeros((L,), jnp.float32))
    acc_v[...] = acc
    pltpu.sync_copy(acc_v, out_hbm.at[wid])


def _tc_body(x_ref, lab_ref, cent_ref, out_ref):
    labs = lab_ref[0, 0, :]
    iota_k = jax.lax.broadcasted_iota(jnp.int32, (BB, KPAD), 1)
    onehot = (labs[:, None] == iota_k).astype(jnp.bfloat16)
    g = jnp.dot(onehot, cent_ref[...], preferred_element_type=jnp.float32)
    d = x_ref[...] - g
    out_ref[...] = jnp.sum(d * d).reshape(1, 1, 1)


def _tc_partials(x, labels_i32, centers_bf16):
    return pl.pallas_call(
        _tc_body,
        grid=(NBLK_TC,),
        in_specs=[
            pl.BlockSpec((BB, D), lambda i: (i + SOFF, 0)),
            pl.BlockSpec((1, 1, BB), lambda i: (i + SOFF, 0, 0)),
            pl.BlockSpec((KPAD, D), lambda i: (0, 0)),
        ],
        out_specs=pl.BlockSpec((1, 1, 1), lambda i: (i, 0, 0)),
        out_shape=jax.ShapeDtypeStruct((NBLK_TC, 1, 1), jnp.float32),
    )(x, labels_i32.reshape(B // BB, 1, BB), centers_bf16)


def kernel(x, labels, centers):
    labels_i32 = labels.astype(jnp.int32)
    centers_p = jnp.pad(centers, ((0, KPAD - NUM_CLASSES), (0, 0)))
    sc_part = _sc_partials(x, labels_i32, centers)
    tc_part = _tc_partials(x, labels_i32, centers_p.astype(jnp.bfloat16))
    return (jnp.sum(sc_part) + jnp.sum(tc_part)) / x.shape[0]

# --- scband reference (transcript-rebuilt; emitter-appended) ---
"""Pipeline reference for scband-center-loss-41936060678385 (READ-ONLY COPY).

The authoritative reference and input builder live on the scoring server;
editing this copy changes nothing except your own understanding.
"""

import jax, jax.numpy as jnp
import numpy as np

NUM_CLASSES = 1000
FEATURE_DIM = 256
BATCH = 4096


def setup_inputs(seed: int = 0) -> dict:
    key = jax.random.key(seed)
    k1, k2, k3 = jax.random.split(key, 3)
    x = jax.random.normal(k1, (BATCH, FEATURE_DIM), dtype=jnp.float32)
    labels = jax.random.randint(k2, (BATCH,), 0, NUM_CLASSES, dtype=jnp.int64)
    centers = jax.random.normal(k3, (NUM_CLASSES, FEATURE_DIM), dtype=jnp.float32)
    return {"x": x, "labels": labels, "centers": centers}


def reference(x, labels, centers):
    # loss = (1/B) * sum_i || x_i - centers[labels_i] ||^2
    gathered = jnp.take(centers, labels, axis=0)  # [B, D] gather
    diff = x - gathered
    sq = jnp.sum(diff * diff, axis=1)  # squared L2 norm per row
    loss = jnp.sum(sq) / x.shape[0]
    return loss

if __name__ == "__main__":
    import jax
    _d = setup_inputs()
    print(jax.jit(kernel)(*tuple(_d.values())))

</pallas_src>

<mosaic_0001>
#map = affine_map<(d0, d1) -> (0, 0)>
#map1 = affine_map<(d0, d1) -> (0)>
module attributes {stable_mosaic.version = 14 : i64} {
  func.func @_sc_partials(%arg0: i32, %arg1: i32, %arg2: memref<4096x256xf32, #tpu.memory_space<hbm>>, %arg3: memref<4096xi32, #tpu.memory_space<hbm>>, %arg4: memref<1000x256xf32, #tpu.memory_space<hbm>>, %arg5: memref<32x16xf32, #tpu.memory_space<hbm>>, %arg6: memref<32xi32, #tpu.memory_space<vmem>>, %arg7: memref<32x256xf32, #tpu.memory_space<vmem>>, %arg8: memref<32x256xf32, #tpu.memory_space<vmem>>, %arg9: memref<16xf32, #tpu.memory_space<vmem>>, %arg10: memref<!tpu.dma_semaphore, #tpu.memory_space<semaphore_mem>>) attributes {dimension_semantics = [#tpu.dimension_semantics<core_parallel>, #tpu.dimension_semantics<subcore_parallel>], iteration_bounds = array<i64: 2, 16>, scalar_prefetch = 0 : i64, scratch_operands = 5 : i64, tpu.core_type = #tpu.core_type<sc_vector_subcore>, window_params = [{transform_indices = #map}, {transform_indices = #map1}, {transform_indices = #map}, {transform_indices = #map}]} {
    %mul3A = arith.constant 2 : i32
    %mul3A_0 = arith.muli %arg1, %mul3A : i32
    %add3A = arith.addi %mul3A_0, %arg0 : i32
    %mul3A_1 = arith.constant 32 : i32
    %mul3A_2 = arith.muli %add3A, %mul3A_1 : i32
    "tpu.region"() ({
      %run_scoped3A = tpu.sem_alloc : memref<!tpu.dma_semaphore, #tpu.memory_space<semaphore_mem>>
      %dma_start3A_16 = tpu.memref_slice %arg3[%mul3A_2] : memref<4096xi32, #tpu.memory_space<hbm>> -> memref<32xi32, #tpu.memory_space<hbm>>
      %dma_start3A_17 = tpu.memref_slice %arg3[%mul3A_2] : memref<4096xi32, #tpu.memory_space<hbm>> -> memref<32xi32, #tpu.memory_space<hbm>>
      tpu.enqueue_dma source(%dma_start3A_17 : memref<32xi32, #tpu.memory_space<hbm>>) target(%arg6 : memref<32xi32, #tpu.memory_space<vmem>>) target_semaphore(%run_scoped3A : memref<!tpu.dma_semaphore, #tpu.memory_space<semaphore_mem>>)
      %dma_wait3A_18 = tpu.memref_slice %arg3[%mul3A_2] : memref<4096xi32, #tpu.memory_space<hbm>> -> memref<32xi32, #tpu.memory_space<hbm>>
      %dma_wait3A_19 = tpu.memref_slice %arg3[%mul3A_2] : memref<4096xi32, #tpu.memory_space<hbm>> -> memref<32xi32, #tpu.memory_space<hbm>>
      tpu.wait_dma2 semaphore(%run_scoped3A : memref<!tpu.dma_semaphore, #tpu.memory_space<semaphore_mem>>) src(%dma_wait3A_19 : memref<32xi32, #tpu.memory_space<hbm>>) dst(%arg6 : memref<32xi32, #tpu.memory_space<vmem>>)
      tpu.yield
    }) : () -> ()
    %dma_start3A = arith.constant 0 : i32
    %dma_start3A_3 = arith.constant 0 : i32
    %dma_start3A_4 = tpu.memref_slice %arg4[%dma_start3A, %dma_start3A_3] : memref<1000x256xf32, #tpu.memory_space<hbm>> -> memref<1000x256xf32, #tpu.memory_space<hbm>>
    tpu.enqueue_indirect_dma source(%dma_start3A_4 : memref<1000x256xf32, #tpu.memory_space<hbm>>) target(%arg7 : memref<32x256xf32, #tpu.memory_space<vmem>>) offsets(%arg6 : memref<32xi32, #tpu.memory_space<vmem>>) semaphore(%arg10 : memref<!tpu.dma_semaphore, #tpu.memory_space<semaphore_mem>>)
    "tpu.region"() ({
      %run_scoped3A = tpu.sem_alloc : memref<!tpu.dma_semaphore, #tpu.memory_space<semaphore_mem>>
      %dma_start3A_16 = arith.constant 0 : i32
      %dma_start3A_17 = tpu.memref_slice %arg2[%mul3A_2, %dma_start3A_16] : memref<4096x256xf32, #tpu.memory_space<hbm>> -> memref<32x256xf32, #tpu.memory_space<hbm>>
      %dma_start3A_18 = arith.constant 0 : i32
      %dma_start3A_19 = tpu.memref_slice %arg2[%mul3A_2, %dma_start3A_18] : memref<4096x256xf32, #tpu.memory_space<hbm>> -> memref<32x256xf32, #tpu.memory_space<hbm>>
      tpu.enqueue_dma source(%dma_start3A_19 : memref<32x256xf32, #tpu.memory_space<hbm>>) target(%arg8 : memref<32x256xf32, #tpu.memory_space<vmem>>) target_semaphore(%run_scoped3A : memref<!tpu.dma_semaphore, #tpu.memory_space<semaphore_mem>>)
      %dma_wait3A_20 = arith.constant 0 : i32
      %dma_wait3A_21 = tpu.memref_slice %arg2[%mul3A_2, %dma_wait3A_20] : memref<4096x256xf32, #tpu.memory_space<hbm>> -> memref<32x256xf32, #tpu.memory_space<hbm>>
      %dma_wait3A_22 = arith.constant 0 : i32
      %dma_wait3A_23 = tpu.memref_slice %arg2[%mul3A_2, %dma_wait3A_22] : memref<4096x256xf32, #tpu.memory_space<hbm>> -> memref<32x256xf32, #tpu.memory_space<hbm>>
      tpu.wait_dma2 semaphore(%run_scoped3A : memref<!tpu.dma_semaphore, #tpu.memory_space<semaphore_mem>>) src(%dma_wait3A_23 : memref<32x256xf32, #tpu.memory_space<hbm>>) dst(%arg8 : memref<32x256xf32, #tpu.memory_space<vmem>>)
      tpu.yield
    }) : () -> ()
    %dma_wait3A = arith.constant 0 : i32
    %dma_wait3A_5 = arith.constant 0 : i32
    %dma_wait3A_6 = tpu.memref_slice %arg4[%dma_wait3A, %dma_wait3A_5] : memref<1000x256xf32, #tpu.memory_space<hbm>> -> memref<1000x256xf32, #tpu.memory_space<hbm>>
    tpu.wait_indirect_dma semaphore(%arg10 : memref<!tpu.dma_semaphore, #tpu.memory_space<semaphore_mem>>) src(%dma_wait3A_6 : memref<1000x256xf32, #tpu.memory_space<hbm>>) dst(%arg7 : memref<32x256xf32, #tpu.memory_space<vmem>>)
    %broadcast_in_dim3A = arith.constant 0.000000e+00 : f32
    %broadcast_in_dim3A_7 = vector.broadcast %broadcast_in_dim3A : f32 to vector<16xf32>
    %scan3A = arith.constant 0 : i32
    %scan3A_8 = arith.constant 32 : i32
    %scan3A_9 = arith.addi %scan3A, %scan3A_8 : i32
    %scan3A_10 = arith.constant 1 : i32
    %scan3A_11 = scf.for %scan3A_16 = %scan3A to %scan3A_9 step %scan3A_10 iter_args(%scan3A_17 = %broadcast_in_dim3A_7) -> (vector<16xf32>)  : i32 {
      %get3A = arith.index_cast %scan3A_16 : i32 to index
      %get3A_18 = arith.constant 0 : index
      %get3A_19 = tpu.vector_load %arg8[%get3A, %get3A_18] {strides = array<i32>} : memref<32x256xf32, #tpu.memory_space<vmem>>, vector<1x16xf32>,
      %get3A_20 = vector.shape_cast %get3A_19 : vector<1x16xf32> to vector<16xf32>
      %get3A_21 = arith.index_cast %scan3A_16 : i32 to index
      %get3A_22 = arith.constant 0 : index
      %get3A_23 = tpu.vector_load %arg7[%get3A_21, %get3A_22] {strides = array<i32>} : memref<32x256xf32, #tpu.memory_space<vmem>>, vector<1x16xf32>,
      %get3A_24 = vector.shape_cast %get3A_23 : vector<1x16xf32> to vector<16xf32>
      %sub3A = arith.subf %get3A_20, %get3A_24 : vector<16xf32>
      %mul3A_25 = arith.mulf %sub3A, %sub3A : vector<16xf32>
      %add3A_26 = arith.addf %scan3A_17, %mul3A_25 : vector<16xf32>
      %get3A_27 = arith.index_cast %scan3A_16 : i32 to index
      %get3A_28 = arith.constant 16 : index
      %get3A_29 = tpu.vector_load %arg8[%get3A_27, %get3A_28] {strides = array<i32>} : memref<32x256xf32, #tpu.memory_space<vmem>>, vector<1x16xf32>,
      %get3A_30 = vector.shape_cast %get3A_29 : vector<1x16xf32> to vector<16xf32>
      %get3A_31 = arith.index_cast %scan3A_16 : i32 to index
      %get3A_32 = arith.constant 16 : index
      %get3A_33 = tpu.vector_load %arg7[%get3A_31, %get3A_32] {strides = array<i32>} : memref<32x256xf32, #tpu.memory_space<vmem>>, vector<1x16xf32>,
      %get3A_34 = vector.shape_cast %get3A_33 : vector<1x16xf32> to vector<16xf32>
      %sub3A_35 = arith.subf %get3A_30, %get3A_34 : vector<16xf32>
      %mul3A_36 = arith.mulf %sub3A_35, %sub3A_35 : vector<16xf32>
      %add3A_37 = arith.addf %add3A_26, %mul3A_36 : vector<16xf32>
      %get3A_38 = arith.index_cast %scan3A_16 : i32 to index
      %get3A_39 = arith.constant 32 : index
      %get3A_40 = tpu.vector_load %arg8[%get3A_38, %get3A_39] {strides = array<i32>} : memref<32x256xf32, #tpu.memory_space<vmem>>, vector<1x16xf32>,
      %get3A_41 = vector.shape_cast %get3A_40 : vector<1x16xf32> to vector<16xf32>
      %get3A_42 = arith.index_cast %scan3A_16 : i32 to index
      %get3A_43 = arith.constant 32 : index
      %get3A_44 = tpu.vector_load %arg7[%get3A_42, %get3A_43] {strides = array<i32>} : memref<32x256xf32, #tpu.memory_space<vmem>>, vector<1x16xf32>,
      %get3A_45 = vector.shape_cast %get3A_44 : vector<1x16xf32> to vector<16xf32>
      %sub3A_46 = arith.subf %get3A_41, %get3A_45 : vector<16xf32>
      %mul3A_47 = arith.mulf %sub3A_46, %sub3A_46 : vector<16xf32>
      %add3A_48 = arith.addf %add3A_37, %mul3A_47 : vector<16xf32>
      %get3A_49 = arith.index_cast %scan3A_16 : i32 to index
      %get3A_50 = arith.constant 48 : index
      %get3A_51 = tpu.vector_load %arg8[%get3A_49, %get3A_50] {strides = array<i32>} : memref<32x256xf32, #tpu.memory_space<vmem>>, vector<1x16xf32>,
      %get3A_52 = vector.shape_cast %get3A_51 : vector<1x16xf32> to vector<16xf32>
      %get3A_53 = arith.index_cast %scan3A_16 : i32 to index
      %get3A_54 = arith.constant 48 : index
      %get3A_55 = tpu.vector_load %arg7[%get3A_53, %get3A_54] {strides = array<i32>} : memref<32x256xf32, #tpu.memory_space<vmem>>, vector<1x16xf32>,
      %get3A_56 = vector.shape_cast %get3A_55 : vector<1x16xf32> to vector<16xf32>
      %sub3A_57 = arith.subf %get3A_52, %get3A_56 : vector<16xf32>
      %mul3A_58 = arith.mulf %sub3A_57, %sub3A_57 : vector<16xf32>
      %add3A_59 = arith.addf %add3A_48, %mul3A_58 : vector<16xf32>
      %get3A_60 = arith.index_cast %scan3A_16 : i32 to index
      %get3A_61 = arith.constant 64 : index
      %get3A_62 = tpu.vector_load %arg8[%get3A_60, %get3A_61] {strides = array<i32>} : memref<32x256xf32, #tpu.memory_space<vmem>>, vector<1x16xf32>,
      %get3A_63 = vector.shape_cast %get3A_62 : vector<1x16xf32> to vector<16xf32>
      %get3A_64 = arith.index_cast %scan3A_16 : i32 to index
      %get3A_65 = arith.constant 64 : index
      %get3A_66 = tpu.vector_load %arg7[%get3A_64, %get3A_65] {strides = array<i32>} : memref<32x256xf32, #tpu.memory_space<vmem>>, vector<1x16xf32>,
      %get3A_67 = vector.shape_cast %get3A_66 : vector<1x16xf32> to vector<16xf32>
      %sub3A_68 = arith.subf %get3A_63, %get3A_67 : vector<16xf32>
      %mul3A_69 = arith.mulf %sub3A_68, %sub3A_68 : vector<16xf32>
      %add3A_70 = arith.addf %add3A_59, %mul3A_69 : vector<16xf32>
      %get3A_71 = arith.index_cast %scan3A_16 : i32 to index
      %get3A_72 = arith.constant 80 : index
      %get3A_73 = tpu.vector_load %arg8[%get3A_71, %get3A_72] {strides = array<i32>} : memref<32x256xf32, #tpu.memory_space<vmem>>, vector<1x16xf32>,
      %get3A_74 = vector.shape_cast %get3A_73 : vector<1x16xf32> to vector<16xf32>
      %get3A_75 = arith.index_cast %scan3A_16 : i32 to index
      %get3A_76 = arith.constant 80 : index
      %get3A_77 = tpu.vector_load %arg7[%get3A_75, %get3A_76] {strides = array<i32>} : memref<32x256xf32, #tpu.memory_space<vmem>>, vector<1x16xf32>,
      %get3A_78 = vector.shape_cast %get3A_77 : vector<1x16xf32> to vector<16xf32>
      %sub3A_79 = arith.subf %get3A_74, %get3A_78 : vector<16xf32>
      %mul3A_80 = arith.mulf %sub3A_79, %sub3A_79 : vector<16xf32>
      %add3A_81 = arith.addf %add3A_70, %mul3A_80 : vector<16xf32>
      %get3A_82 = arith.index_cast %scan3A_16 : i32 to index
      %get3A_83 = arith.constant 96 : index
      %get3A_84 = tpu.vector_load %arg8[%get3A_82, %get3A_83] {strides = array<i32>} : memref<32x256xf32, #tpu.memory_space<vmem>>, vector<1x16xf32>,
      %get3A_85 = vector.shape_cast %get3A_84 : vector<1x16xf32> to vector<16xf32>
      %get3A_86 = arith.index_cast %scan3A_16 : i32 to index
      %get3A_87 = arith.constant 96 : index
      %get3A_88 = tpu.vector_load %arg7[%get3A_86, %get3A_87] {strides = array<i32>} : memref<32x256xf32, #tpu.memory_space<vmem>>, vector<1x16xf32>,
      %get3A_89 = vector.shape_cast %get3A_88 : vector<1x16xf32> to vector<16xf32>
      %sub3A_90 = arith.subf %get3A_85, %get3A_89 : vector<16xf32>
      %mul3A_91 = arith.mulf %sub3A_90, %sub3A_90 : vector<16xf32>
      %add3A_92 = arith.addf %add3A_81, %mul3A_91 : vector<16xf32>
      %get3A_93 = arith.index_cast %scan3A_16 : i32 to index
      %get3A_94 = arith.constant 112 : index
      %get3A_95 = tpu.vector_load %arg8[%get3A_93, %get3A_94] {strides = array<i32>} : memref<32x256xf32, #tpu.memory_space<vmem>>, vector<1x16xf32>,
      %get3A_96 = vector.shape_cast %get3A_95 : vector<1x16xf32> to vector<16xf32>
      %get3A_97 = arith.index_cast %scan3A_16 : i32 to index
      %get3A_98 = arith.constant 112 : index
      %get3A_99 = tpu.vector_load %arg7[%get3A_97, %get3A_98] {strides = array<i32>} : memref<32x256xf32, #tpu.memory_space<vmem>>, vector<1x16xf32>,
      %get3A_100 = vector.shape_cast %get3A_99 : vector<1x16xf32> to vector<16xf32>
      %sub3A_101 = arith.subf %get3A_96, %get3A_100 : vector<16xf32>
      %mul3A_102 = arith.mulf %sub3A_101, %sub3A_101 : vector<16xf32>
      %add3A_103 = arith.addf %add3A_92, %mul3A_102 : vector<16xf32>
      %get3A_104 = arith.index_cast %scan3A_16 : i32 to index
      %get3A_105 = arith.constant 128 : index
      %get3A_106 = tpu.vector_load %arg8[%get3A_104, %get3A_105] {strides = array<i32>} : memref<32x256xf32, #tpu.memory_space<vmem>>, vector<1x16xf32>,
      %get3A_107 = vector.shape_cast %get3A_106 : vector<1x16xf32> to vector<16xf32>
      %get3A_108 = arith.index_cast %scan3A_16 : i32 to index
      %get3A_109 = arith.constant 128 : index
      %get3A_110 = tpu.vector_load %arg7[%get3A_108, %get3A_109] {strides = array<i32>} : memref<32x256xf32, #tpu.memory_space<vmem>>, vector<1x16xf32>,
      %get3A_111 = vector.shape_cast %get3A_110 : vector<1x16xf32> to vector<16xf32>
      %sub3A_112 = arith.subf %get3A_107, %get3A_111 : vector<16xf32>
      %mul3A_113 = arith.mulf %sub3A_112, %sub3A_112 : vector<16xf32>
      %add3A_114 = arith.addf %add3A_103, %mul3A_113 : vector<16xf32>
      %get3A_115 = arith.index_cast %scan3A_16 : i32 to index
      %get3A_116 = arith.constant 144 : index
      %get3A_117 = tpu.vector_load %arg8[%get3A_115, %get3A_116] {strides = array<i32>} : memref<32x256xf32, #tpu.memory_space<vmem>>, vector<1x16xf32>,
      %get3A_118 = vector.shape_cast %get3A_117 : vector<1x16xf32> to vector<16xf32>
      %get3A_119 = arith.index_cast %scan3A_16 : i32 to index
      %get3A_120 = arith.constant 144 : index
      %get3A_121 = tpu.vector_load %arg7[%get3A_119, %get3A_120] {strides = array<i32>} : memref<32x256xf32, #tpu.memory_space<vmem>>, vector<1x16xf32>,
      %get3A_122 = vector.shape_cast %get3A_121 : vector<1x16xf32> to vector<16xf32>
      %sub3A_123 = arith.subf %get3A_118, %get3A_122 : vector<16xf32>
      %mul3A_124 = arith.mulf %sub3A_123, %sub3A_123 : vector<16xf32>
      %add3A_125 = arith.addf %add3A_114, %mul3A_124 : vector<16xf32>
      %get3A_126 = arith.index_cast %scan3A_16 : i32 to index
      %get3A_127 = arith.constant 160 : index
      %get3A_128 = tpu.vector_load %arg8[%get3A_126, %get3A_127] {strides = array<i32>} : memref<32x256xf32, #tpu.memory_space<vmem>>, vector<1x16xf32>,
      %get3A_129 = vector.shape_cast %get3A_128 : vector<1x16xf32> to vector<16xf32>
      %get3A_130 = arith.index_cast %scan3A_16 : i32 to index
      %get3A_131 = arith.constant 160 : index
      %get3A_132 = tpu.vector_load %arg7[%get3A_130, %get3A_131] {strides = array<i32>} : memref<32x256xf32, #tpu.memory_space<vmem>>, vector<1x16xf32>,
      %get3A_133 = vector.shape_cast %get3A_132 : vector<1x16xf32> to vector<16xf32>
      %sub3A_134 = arith.subf %get3A_129, %get3A_133 : vector<16xf32>
      %mul3A_135 = arith.mulf %sub3A_134, %sub3A_134 : vector<16xf32>
      %add3A_136 = arith.addf %add3A_125, %mul3A_135 : vector<16xf32>
      %get3A_137 = arith.index_cast %scan3A_16 : i32 to index
      %get3A_138 = arith.constant 176 : index
      %get3A_139 = tpu.vector_load %arg8[%get3A_137, %get3A_138] {strides = array<i32>} : memref<32x256xf32, #tpu.memory_space<vmem>>, vector<1x16xf32>,
      %get3A_140 = vector.shape_cast %get3A_139 : vector<1x16xf32> to vector<16xf32>
      %get3A_141 = arith.index_cast %scan3A_16 : i32 to index
      %get3A_142 = arith.constant 176 : index
      %get3A_143 = tpu.vector_load %arg7[%get3A_141, %get3A_142] {strides = array<i32>} : memref<32x256xf32, #tpu.memory_space<vmem>>, vector<1x16xf32>,
      %get3A_144 = vector.shape_cast %get3A_143 : vector<1x16xf32> to vector<16xf32>
      %sub3A_145 = arith.subf %get3A_140, %get3A_144 : vector<16xf32>
      %mul3A_146 = arith.mulf %sub3A_145, %sub3A_145 : vector<16xf32>
      %add3A_147 = arith.addf %add3A_136, %mul3A_146 : vector<16xf32>
      %get3A_148 = arith.index_cast %scan3A_16 : i32 to index
      %get3A_149 = arith.constant 192 : index
      %get3A_150 = tpu.vector_load %arg8[%get3A_148, %get3A_149] {strides = array<i32>} : memref<32x256xf32, #tpu.memory_space<vmem>>, vector<1x16xf32>,
      %get3A_151 = vector.shape_cast %get3A_150 : vector<1x16xf32> to vector<16xf32>
      %get3A_152 = arith.index_cast %scan3A_16 : i32 to index
      %get3A_153 = arith.constant 192 : index
      %get3A_154 = tpu.vector_load %arg7[%get3A_152, %get3A_153] {strides = array<i32>} : memref<32x256xf32, #tpu.memory_space<vmem>>, vector<1x16xf32>,
      %get3A_155 = vector.shape_cast %get3A_154 : vector<1x16xf32> to vector<16xf32>
      %sub3A_156 = arith.subf %get3A_151, %get3A_155 : vector<16xf32>
      %mul3A_157 = arith.mulf %sub3A_156, %sub3A_156 : vector<16xf32>
      %add3A_158 = arith.addf %add3A_147, %mul3A_157 : vector<16xf32>
      %get3A_159 = arith.index_cast %scan3A_16 : i32 to index
      %get3A_160 = arith.constant 208 : index
      %get3A_161 = tpu.vector_load %arg8[%get3A_159, %get3A_160] {strides = array<i32>} : memref<32x256xf32, #tpu.memory_space<vmem>>, vector<1x16xf32>,
      %get3A_162 = vector.shape_cast %get3A_161 : vector<1x16xf32> to vector<16xf32>
      %get3A_163 = arith.index_cast %scan3A_16 : i32 to index
      %get3A_164 = arith.constant 208 : index
      %get3A_165 = tpu.vector_load %arg7[%get3A_163, %get3A_164] {strides = array<i32>} : memref<32x256xf32, #tpu.memory_space<vmem>>, vector<1x16xf32>,
      %get3A_166 = vector.shape_cast %get3A_165 : vector<1x16xf32> to vector<16xf32>
      %sub3A_167 = arith.subf %get3A_162, %get3A_166 : vector<16xf32>
      %mul3A_168 = arith.mulf %sub3A_167, %sub3A_167 : vector<16xf32>
      %add3A_169 = arith.addf %add3A_158, %mul3A_168 : vector<16xf32>
      %get3A_170 = arith.index_cast %scan3A_16 : i32 to index
      %get3A_171 = arith.constant 224 : index
      %get3A_172 = tpu.vector_load %arg8[%get3A_170, %get3A_171] {strides = array<i32>} : memref<32x256xf32, #tpu.memory_space<vmem>>, vector<1x16xf32>,
      %get3A_173 = vector.shape_cast %get3A_172 : vector<1x16xf32> to vector<16xf32>
      %get3A_174 = arith.index_cast %scan3A_16 : i32 to index
      %get3A_175 = arith.constant 224 : index
      %get3A_176 = tpu.vector_load %arg7[%get3A_174, %get3A_175] {strides = array<i32>} : memref<32x256xf32, #tpu.memory_space<vmem>>, vector<1x16xf32>,
      %get3A_177 = vector.shape_cast %get3A_176 : vector<1x16xf32> to vector<16xf32>
      %sub3A_178 = arith.subf %get3A_173, %get3A_177 : vector<16xf32>
      %mul3A_179 = arith.mulf %sub3A_178, %sub3A_178 : vector<16xf32>
      %add3A_180 = arith.addf %add3A_169, %mul3A_179 : vector<16xf32>
      %get3A_181 = arith.index_cast %scan3A_16 : i32 to index
      %get3A_182 = arith.constant 240 : index
      %get3A_183 = tpu.vector_load %arg8[%get3A_181, %get3A_182] {strides = array<i32>} : memref<32x256xf32, #tpu.memory_space<vmem>>, vector<1x16xf32>,
      %get3A_184 = vector.shape_cast %get3A_183 : vector<1x16xf32> to vector<16xf32>
      %get3A_185 = arith.index_cast %scan3A_16 : i32 to index
      %get3A_186 = arith.constant 240 : index
      %get3A_187 = tpu.vector_load %arg7[%get3A_185, %get3A_186] {strides = array<i32>} : memref<32x256xf32, #tpu.memory_space<vmem>>, vector<1x16xf32>,
      %get3A_188 = vector.shape_cast %get3A_187 : vector<1x16xf32> to vector<16xf32>
      %sub3A_189 = arith.subf %get3A_184, %get3A_188 : vector<16xf32>
      %mul3A_190 = arith.mulf %sub3A_189, %sub3A_189 : vector<16xf32>
      %add3A_191 = arith.addf %add3A_180, %mul3A_190 : vector<16xf32>
      scf.yield %add3A_191 : vector<16xf32>
    }
    %scan3A_12 = arith.constant 32 : i32
    %swap3A = arith.constant 0 : index
    %swap3A_13 = tpu.vector_load %arg9[%swap3A] {strides = array<i32>} : memref<16xf32, #tpu.memory_space<vmem>>, vector<16xf32>,
    %swap3A_14 = vector.shape_cast %swap3A_13 : vector<16xf32> to vector<16xf32>
    %swap3A_15 = vector.shape_cast %scan3A_11 : vector<16xf32> to vector<16xf32>
    tpu.vector_store %arg9[%swap3A], %swap3A_15 {strides = array<i32>} : memref<16xf32, #tpu.memory_space<vmem>>, vector<16xf32>,
    "tpu.region"() ({
      %run_scoped3A = tpu.sem_alloc : memref<!tpu.dma_semaphore, #tpu.memory_space<semaphore_mem>>
      %dma_start3A_16 = arith.constant 0 : i32
      %dma_start3A_17 = tpu.memref_slice %arg5[%add3A, %dma_start3A_16] : memref<32x16xf32, #tpu.memory_space<hbm>> -> memref<1x16xf32, #tpu.memory_space<hbm>>
      %dma_start3A_18 = tpu.memref_squeeze %dma_start3A_17 : memref<1x16xf32, #tpu.memory_space<hbm>> -> memref<16xf32, #tpu.memory_space<hbm>>
      %dma_start3A_19 = arith.constant 0 : i32
      %dma_start3A_20 = tpu.memref_slice %arg5[%add3A, %dma_start3A_19] : memref<32x16xf32, #tpu.memory_space<hbm>> -> memref<1x16xf32, #tpu.memory_space<hbm>>
      %dma_start3A_21 = tpu.memref_squeeze %dma_start3A_20 : memref<1x16xf32, #tpu.memory_space<hbm>> -> memref<16xf32, #tpu.memory_space<hbm>>
      tpu.enqueue_dma source(%arg9 : memref<16xf32, #tpu.memory_space<vmem>>) target(%dma_start3A_21 : memref<16xf32, #tpu.memory_space<hbm>>) target_semaphore(%run_scoped3A : memref<!tpu.dma_semaphore, #tpu.memory_space<semaphore_mem>>)
      %dma_wait3A_22 = arith.constant 0 : i32
      %dma_wait3A_23 = tpu.memref_slice %arg5[%add3A, %dma_wait3A_22] : memref<32x16xf32, #tpu.memory_space<hbm>> -> memref<1x16xf32, #tpu.memory_space<hbm>>
      %dma_wait3A_24 = tpu.memref_squeeze %dma_wait3A_23 : memref<1x16xf32, #tpu.memory_space<hbm>> -> memref<16xf32, #tpu.memory_space<hbm>>
      %dma_wait3A_25 = arith.constant 0 : i32
      %dma_wait3A_26 = tpu.memref_slice %arg5[%add3A, %dma_wait3A_25] : memref<32x16xf32, #tpu.memory_space<hbm>> -> memref<1x16xf32, #tpu.memory_space<hbm>>
      %dma_wait3A_27 = tpu.memref_squeeze %dma_wait3A_26 : memref<1x16xf32, #tpu.memory_space<hbm>> -> memref<16xf32, #tpu.memory_space<hbm>>
      tpu.wait_dma2 semaphore(%run_scoped3A : memref<!tpu.dma_semaphore, #tpu.memory_space<semaphore_mem>>) src(%arg9 : memref<16xf32, #tpu.memory_space<vmem>>) dst(%dma_wait3A_27 : memref<16xf32, #tpu.memory_space<hbm>>)
      tpu.yield
    }) : () -> ()
    return
  }
}

module attributes {stable_mosaic.version = 14 : i64} {
  func.func @_tc_body(%arg0: i32, %arg1: memref<512x256xf32, #tpu.memory_space<vmem>>, %arg2: memref<1x1x512xi32, #tpu.memory_space<vmem>>, %arg3: memref<1024x256xbf16, #tpu.memory_space<vmem>>, %arg4: memref<1x1x1xf32, #tpu.memory_space<vmem>>) attributes {dimension_semantics = [#tpu.dimension_semantics<arbitrary>], iteration_bounds = array<i64: 6>, scalar_prefetch = 0 : i64, scratch_operands = 0 : i64, tpu.core_type = #tpu.core_type<tc>, window_params = [{transform_indices = @transform_0, window_bounds = array<i64: 512, 256>}, {transform_indices = @transform_1, window_bounds = array<i64: 1, 1, 512>}, {pipeline_mode = #tpu.pipeline_mode<synchronous>, transform_indices = @transform_2, window_bounds = array<i64: 1024, 256>}, {transform_indices = @transform_3, window_bounds = array<i64: 1, 1, 1>}]} {
    %get3A = arith.constant 0 : index
    %get3A_0 = arith.constant 0 : index
    %get3A_1 = arith.constant 0 : index
    %get3A_2 = vector.load %arg2[%get3A, %get3A_0, %get3A_1] : memref<1x1x512xi32, #tpu.memory_space<vmem>>, vector<1x1x512xi32>
    %get3A_3 = vector.shape_cast %get3A_2 : vector<1x1x512xi32> to vector<512xi32>
    %iota3A = tpu.iota {dimensions = array<i32: 1>} : vector<512x1024xi32>
    %broadcast_in_dim3A = vector.shape_cast %get3A_3 : vector<512xi32> to vector<512x1xi32>
    %eq3A = vector.broadcast %broadcast_in_dim3A : vector<512x1xi32> to vector<512x1024xi32>
    %eq3A_4 = arith.cmpi eq, %eq3A, %iota3A : vector<512x1024xi32>
    %convert_element_type3A = arith.extui %eq3A_4 : vector<512x1024xi1> to vector<512x1024xi32>
    %convert_element_type3A_5 = arith.sitofp %convert_element_type3A : vector<512x1024xi32> to vector<512x1024xf32>
    %convert_element_type3A_6 = arith.truncf %convert_element_type3A_5 : vector<512x1024xf32> to vector<512x1024xbf16>
    %get3A_7 = arith.constant 0 : index
    %get3A_8 = arith.constant 0 : index
    %get3A_9 = vector.load %arg3[%get3A_7, %get3A_8] : memref<1024x256xbf16, #tpu.memory_space<vmem>>, vector<1024x256xbf16>
    %dot_general3A = arith.constant dense<0.000000e+00> : vector<512x256xf32>
    %dot_general3A_10 = tpu.matmul %convert_element_type3A_6, %get3A_9, %dot_general3A {dimension_numbers = #tpu.dot_dimension_numbers<[1], [0], [0], [1], [0, 0, 1, 1], [], []>, transpose_lhs_hint = false} : vector<512x1024xbf16>, vector<1024x256xbf16>, vector<512x256xf32> -> vector<512x256xf32>
    %get3A_11 = arith.constant 0 : index
    %get3A_12 = arith.constant 0 : index
    %get3A_13 = vector.load %arg1[%get3A_11, %get3A_12] : memref<512x256xf32, #tpu.memory_space<vmem>>, vector<512x256xf32>
    %sub3A = arith.subf %get3A_13, %dot_general3A_10 : vector<512x256xf32>
    %mul3A = arith.mulf %sub3A, %sub3A : vector<512x256xf32>
    %reduce_sum3A = vector.shape_cast %mul3A : vector<512x256xf32> to vector<1x512x256xf32>
    %reduce_sum3A_14 = arith.constant dense<0.000000e+00> : vector<1xf32>
    %reduce_sum3A_15 = vector.multi_reduction <add>, %reduce_sum3A, %reduce_sum3A_14 [1, 2] : vector<1x512x256xf32> to vector<1xf32>
    %reduce_sum3A_16 = vector.shape_cast %reduce_sum3A_15 : vector<1xf32> to vector<1x1x1xf32>
    %reduce_sum3A_17 = vector.extract %reduce_sum3A_16[0, 0, 0] : f32 from vector<1x1x1xf32>
    %reshape3A = vector.broadcast %reduce_sum3A_17 : f32 to vector<1x1x1xf32>
    %swap3A = arith.constant 0 : index
    %swap3A_18 = arith.constant 0 : index
    %swap3A_19 = arith.constant 0 : index
    %swap3A_20 = vector.load %arg4[%swap3A, %swap3A_18, %swap3A_19] : memref<1x1x1xf32, #tpu.memory_space<vmem>>, vector<1x1x1xf32>
    tpu.vector_store %arg4[%swap3A, %swap3A_18, %swap3A_19], %reshape3A {strides = array<i32>} : memref<1x1x1xf32, #tpu.memory_space<vmem>>, vector<1x1x1xf32>,
    return
  }
  func.func @transform_0(%arg0: i32) -> (i32, i32) {
    %add3A = arith.constant 2 : i32
    %add3A_0 = arith.addi %arg0, %add3A : i32
    %c0_i32 = arith.constant 0 : i32
    %c0_i32_1 = arith.constant 0 : i32
    return %add3A_0, %c0_i32 : i32, i32
  }
  func.func @transform_1(%arg0: i32) -> (i32, i32, i32) {
    %add3A = arith.constant 2 : i32
    %add3A_0 = arith.addi %arg0, %add3A : i32
    %c0_i32 = arith.constant 0 : i32
    %c0_i32_1 = arith.constant 0 : i32
    %c0_i32_2 = arith.constant 0 : i32
    return %add3A_0, %c0_i32, %c0_i32_1 : i32, i32, i32
  }
  func.func @transform_2(%arg0: i32) -> (i32, i32) {
    %c0_i32 = arith.constant 0 : i32
    %c0_i32_0 = arith.constant 0 : i32
    %c0_i32_1 = arith.constant 0 : i32
    return %c0_i32, %c0_i32_0 : i32, i32
  }
  func.func @transform_3(%arg0: i32) -> (i32, i32, i32) {
    %c0_i32 = arith.constant 0 : i32
    %c0_i32_0 = arith.constant 0 : i32
    %c0_i32_1 = arith.constant 0 : i32
    return %arg0, %c0_i32, %c0_i32_0 : i32, i32, i32
  }
}

</mosaic_0001>

<sc_bundles>
// kernel: kernel.4.cloned.1.call-start
scs
__scs_entry_jumppad:
0x0: {  	(pc) =	sbr.rel $0x88, $3  }
0x1: {  	(tag) =	ssettag $0x0;
	lr =	simm.s32 $0x1  }
0x2: {  	[smem:$0x3F9E] =	sst lr;
	_ =	strace $0xD0000000  }
0x3: {  	_ = 	snop  }
0x4: {  	_ = 	snop  }
0x5: {  	_ = 	snop  }
0x6: {  	_ = 	snop  }
0x7: {  	_ = 	snop  }
__scs_overlays_trampoline_lowered:
0x8: {  	[smem:$0x3FAD] =	sst s0  }
0x9: {  	[smem:$0x3FAE] =	sst s1  }
0xa: {  	[smem:$0x3FAF] =	sst s2  }
0xb: {  	[smem:$0x3FB0] =	sst s3  }
0xc: {  	[smem:$0x3FB1] =	sst s4  }
0xd: {  	[smem:$0x3FB2] =	sst s5  }
0xe: {  	[smem:$0x3FB3] =	sst s6  }
0xf: {  	[smem:$0x3FB4] =	sst s7  }
0x10: {  	[smem:$0x3FB5] =	sst s8  }
0x11: {  	[smem:$0x3FB6] =	sst s9;
	s0 =	simm.s32 @!p0 $0x0  }
0x12: {  	s1 =	sld [smem:$0x3F9C];
	s0 =	simm.s32 @p0 $0x1  }
0x13: {  	[smem:$0x3FB7] =	sst s0;
	s0 =	simm.s32 @!p1 $0x0  }
0x14: {  	s2 =	sld [smem:$0x3F9B];
	s0 =	simm.s32 @p1 $0x1  }
0x15: {  	[smem:$0x3FB8] =	sst s0;
	s0 =	simm.s32 @!p2 $0x0  }
0x16: {  	s3 =	sld [smem:$0x3FDB];
	s0 =	simm.s32 @p2 $0x1  }
0x17: {  	s4 =	simm.s32 $0x1BF5;
	[smem:$0x3FBA] =	sst s0  }
0x18: {  	s0 =	sld [smem:$0x3F9D];
	_ =	swait.ge [sflag:s4], $0x0  }
0x19: {  	s7 =	sld [smem:$0x3F9E]  }
0x1a: {  	s8 =	sadd.s32 $0xFFFFE003, lr  }
0x1b: {  	s9 =	sadd.s32 $0xFFFFFEF7, lr;
	s5 =	simm.s32 $0xFFFFFFFF;
	p2 =	slt.u32 s8, $0xFFFFF086  }
0x1c: {  	p1 =	slt.u32 s9, $0xF7A;
	s5 =	simm.s32 @!p2 $0x0  }
0x1d: {  	s5 =	simm.s32 @p1 $0x1;
	p0 =	seq.s32 s7, s2  }
0x1e: {  	s7 =	smul.u32 @!p0 $0xF7A, s2;
	p2 =	seq.s32 @!p0 s5, $0x0  }
0x1f: {  	s9 =	smul.u32 $0xF7A, s1;
	s8 =	simm.s32 @!p0 $0x1BF5;
	p2 =	por !p2, p0  }
0x20: {  	[sflag:s8] =	ssyncset.s32 @!p0 $0xFFFFF086;
	s6 =	sadd.s32 @!p0 s3, s7;
	s7 =	simm.s32 @!p0 $0x108  }
0x21: {  	s3 =	sadd.s32 s3, s9;
	s6 =	sadd.s32 @!p0 $0x88, s6;
	s7 =	simm.s32 @p2 $0x1082  }
0x22: {  	[simem:s7], [sflag:s8] =	dma.local @!p0 [hbm:s6], $0xF7A  }
0x23: {  	s9 =	sor.u32 $0xD0000000, s2;
	s6 =	simm.s32 $0x108;
	_ =	swait.ge @!p0 [sflag:s8], $0x0  }
0x24: {  	s3 =	sadd.s32 $0x88, s3;
	s6 =	simm.s32 @!p1 $0x1082;
	[sflag:s4] =	ssyncset.s32 $0xFFFFF086  }
0x25: {  	[simem:s6], [sflag:s4] =	dma.local [hbm:s3], $0xF7A  }
0x26: {  	[smem:$0x3F9E] =	sst s1;
	(tag) =	ssettag s2;
	_ =	strace s9  }
0x27: {  	s1 =	sld [smem:$0x3FAE]  }
0x28: {  	s2 =	sld [smem:$0x3FAF]  }
0x29: {  	s4 =	sld [smem:$0x3FB1]  }
0x2a: {  	p0 =	seq.s32 s5, $0x0;
	s5 =	sld [smem:$0x3FB2]  }
0x2b: {  	s6 =	sld [smem:$0x3FB3]  }
0x2c: {  	s7 =	sld [smem:$0x3FB4]  }
0x2d: {  	s3 =	simm.s32 $0x108;
	s8 =	sld [smem:$0x3FB5]  }
0x2e: {  	s3 =	simm.s32 @!p0 $0x1082;
	s9 =	sld [smem:$0x3FB6]  }
0x2f: {  	lr =	sadd.s32 s0, s3;
	s0 =	sld [smem:$0x3FAD]  }
0x30: {  	s3 =	sld [smem:$0x3FB0]  }
0x31: {  	[smem:$0x3FB9] =	sst s10  }
0x32: {  	s10 =	sld [smem:$0x3FB7];
	_ =	sdelay $0x3  }
0x33: {  	p0 =	seq.s32 s10, $0x1;
	s10 =	sld [smem:$0x3FB9];
	_ =	sdelay $0x3  }
0x34: {  	[smem:$0x3FB9] =	sst s10  }
0x35: {  	s10 =	sld [smem:$0x3FB8];
	_ =	sdelay $0x3  }
0x36: {  	p1 =	seq.s32 s10, $0x1;
	s10 =	sld [smem:$0x3FB9];
	_ =	sdelay $0x3  }
0x37: {  	[smem:$0x3FB9] =	sst s10  }
0x38: {  	s10 =	sld [smem:$0x3FBA]  }
0x39: {  	_ = 	snop;
	(pc) =	sbr.ind lr, $3  }
0x3a: {  	_ = 	snop  }
0x3b: {  	_ = 	snop  }
0x3c: {  	p2 =	seq.s32 s10, $0x1;
	s10 =	sld [smem:$0x3FB9]  }
0x3d: {  	_ =	shalt  }
0x3e: {  	_ =	shalt  }
0x3f: {  	_ =	shalt  }
0x40: {  	_ =	shalt  }
0x41: {  	_ =	shalt  }
0x42: {  	_ =	shalt  }
0x43: {  	_ =	shalt  }
0x44: {  	_ =	shalt  }
0x45: {  	_ =	shalt  }
0x46: {  	_ =	shalt  }
0x47: {  	_ =	shalt  }
0x48: {  	_ =	shalt  }
0x49: {  	_ =	shalt  }
0x4a: {  	_ =	shalt  }
0x4b: {  	_ =	shalt  }
0x4c: {  	_ =	shalt  }
0x4d: {  	_ =	shalt  }
0x4e: {  	_ =	shalt  }
0x4f: {  	_ =	shalt  }
0x50: {  	_ =	shalt  }
0x51: {  	_ =	shalt  }
0x52: {  	_ =	shalt  }
0x53: {  	_ =	shalt  }
0x54: {  	_ =	shalt  }
0x55: {  	_ =	shalt  }
0x56: {  	_ =	shalt  }
0x57: {  	_ =	shalt  }
0x58: {  	_ =	shalt  }
0x59: {  	_ =	shalt  }
0x5a: {  	_ =	shalt  }
0x5b: {  	_ =	shalt  }
0x5c: {  	_ =	shalt  }
0x5d: {  	_ =	shalt  }
0x5e: {  	_ =	shalt  }
0x5f: {  	_ =	shalt  }
0x60: {  	_ =	shalt  }
0x61: {  	_ =	shalt  }
0x62: {  	_ =	shalt  }
0x63: {  	_ =	shalt  }
0x64: {  	_ =	shalt  }
0x65: {  	_ =	shalt  }
0x66: {  	_ =	shalt  }
0x67: {  	_ =	shalt  }
0x68: {  	_ =	shalt  }
0x69: {  	_ =	shalt  }
0x6a: {  	_ =	shalt  }
0x6b: {  	_ =	shalt  }
0x6c: {  	_ =	shalt  }
0x6d: {  	_ =	shalt  }
0x6e: {  	_ =	shalt  }
0x6f: {  	_ =	shalt  }
0x70: {  	_ =	shalt  }
0x71: {  	_ =	shalt  }
0x72: {  	_ =	shalt  }
0x73: {  	_ =	shalt  }
0x74: {  	_ =	shalt  }
0x75: {  	_ =	shalt  }
0x76: {  	_ =	shalt  }
0x77: {  	_ =	shalt  }
0x78: {  	_ =	shalt  }
0x79: {  	_ =	shalt  }
0x7a: {  	_ =	shalt  }
0x7b: {  	_ =	shalt  }
0x7c: {  	_ =	shalt  }
0x7d: {  	_ =	shalt  }
0x7e: {  	_ =	shalt  }
0x7f: {  	_ =	shalt  }
0x80: {  	_ =	shalt  }
0x81: {  	_ =	shalt  }
0x82: {  	_ =	shalt  }
0x83: {  	_ =	shalt  }
0x84: {  	_ =	shalt  }
0x85: {  	_ =	shalt  }
0x86: {  	_ =	shalt  }
0x87: {  	_ =	shalt  }
.Lfunc_end0:
.L_simem_size_0:
called_computation_lowered:
.L_overlay_start_0:
0x88: {  	s2 =	sld [smem:$0x3FD9]  }
0x89: {  	s3 =	sld [smem:$0x3FFE];
	_ =	sdelay $0x1  }
0x8a: {  	s1 =	srdreg.scid  }
0x8b: {  	s0 =	sand.u32 $0x1, s1  }
0x8c: {  	s17 =	sshll.u32 s0, $0xA;
	s2 =	sadd.s32 s3, s2  }
0x8d: {  	s2 =	sadd.s32 s2, s17  }
0x8e: {  	[smem:$0x3FC5] =	sst s2  }
0x8f: {  	_ = 	snop  }
0x90: {  	s2 =	sld [smem:$0x3FC9]  }
0x91: {  	s18 =	sld [smem:$0x3FC8]  }
0x92: {  	s4 =	sld [smem:$0x3FC7];
	(tm) =	ssettm $0x1  }
0x93: {  	s5 =	sld [smem:$0x3FFB];
	_ =	sdelay $0x3  }
0x94: {  	_ =	strace s5  }
0x95: {  	s5 =	sld [smem:$0x3FFC];
	_ =	sdelay $0x3  }
0x96: {  	_ =	strace s5  }
0x97: {  	s5 =	sld [smem:$0x3FFD];
	_ =	sdelay $0x3  }
0x98: {  	_ =	strace s5  }
0x99: {  	_ =	strace $0x8FFFFFFF  }
0x9a: {  	s19 =	sld [smem:$0x3FDB];
	_ =	sdelay $0x1  }
0x9b: {  	s6 =	simm.s32 $_scs_section_size  }
0x9c: {  	s7 =	simm.s32 $_size__tile_overlayer_lowered;
	s8 =	simm.s32 $_tile_overlayer_lowered  }
0x9d: {  	s22 =	simm.s32 $0x1BFF;
	s21 =	sshll.u32 s8, $0x1;
	s5 =	sadd.s32 s6, s19  }
0x9e: {  	s9 =	simm.s32 $0x0;
	s20 =	sshll.u32 s7, $0x1;
	s7 =	sadd.s32 s21, s5  }
0x9f: {  	[timem:s9], [sflag:s22] =	dma.local [hbm:s7], s20  }
0xa0: {  	_ =	swait.ge [sflag:s22], s20  }
0xa1: {  	s6 =	ssub.s32 $0x0, s20;
	[sflag:s22] =	ssyncset.done $0x0  }
0xa2: {  	[sflag:s22] =	ssyncadd.s32 s6;
	_ =	sdelay $0x1  }
0xa3: {  	s23 =	simm.s32 $0x1B8B  }
0xa4: {  	_ =	swait.ge [sflag:s23], $0x1  }
0xa5: {  	[sflag:s23] =	ssyncset.done $0x0  }
0xa6: {  	s25 =	simm.s32 $0x1B8E;
	s24 =	sld [smem:$0x3FFE];
	[sflag:s23] =	ssyncadd.s32 $0xFFFFFFFF  }
0xa7: {  	s26 =	simm.s32 $execute0_lowered;
	[smem:$0x3FD2] =	sst s25  }
0xa8: {  	s7 =	sshll.u32 s26, $0x1;
	_ =	strace $0x80000046;
	[dreg:$0x1] =	wrdreg $0xFFFFFFFF  }
0xa9: {  	s28 =	simm.s32 $_size_execute0_lowered;
	s5 =	sadd.s32 s5, s7;
	[dreg:$0x0] =	wrdreg $0x0  }
0xaa: {  	s7 =	sshll.u32 s28, $0x1;
	[dreg:$0x2] =	wrdreg s5  }
0xab: {  	[dreg:$0x3] =	wrdreg s7  }
0xac: {  	[dreg:$0x4] =	wrdreg $0xC0  }
0xad: {  	_ =	task [dreg:s9], $0x5FFFF  }
0xae: {  	[dreg:$0x1] =	wrdreg $0xFFFFFFFF  }
0xaf: {  	[dreg:$0x0] =	wrdreg $0x60  }
0xb0: {  	[dreg:$0x2] =	wrdreg s2  }
0xb1: {  	[dreg:$0x3] =	wrdreg s18  }
0xb2: {  	[dreg:$0x4] =	wrdreg s4  }
0xb3: {  	[dreg:$0x5] =	wrdreg s24  }
0xb4: {  	[dreg:$0x6] =	wrdreg $0x9  }
0xb5: {  	_ =	task.clear_ibuf [dreg:s9], $0x7FFFF;
	_ =	strace $0x90000046  }
0xb6: {  	s29 =	simm.s32 $0x9;
	_ =	strace $0x80000048  }
0xb7: {  	_ =	swait.ge [sflag:s29], $0x1  }
0xb8: {  	[sflag:s29] =	ssyncadd.s32 $0xFFFFFFFF  }
0xb9: {  	_ =	strace $0x90000048  }
0xba: {  	_ =	sfence  }
0xbb: {  	s30 =	sld [smem:$0x0];
	_ =	sdelay $0x2  }
0xbc: {  	s31 =	sshll.u32 s1, $0xD;
	s1 =	sshrl.u32 s1, $0x2  }
0xbd: {  	s3 =	sand.u32 $0x4000, s31;
	s1 =	sadd.s32 s1, s30  }
0xbe: {  	s0 =	sor.u32 s3, s0;
	s1 =	sshll.u32 s1, $0x11  }
0xbf: {  	s0 =	sor.u32 s1, s0  }
0xc0: {  	s0 =	sadd.s32 $0x8F2B, s0  }
0xc1: {  	[sflag:s0] =	ssyncadd.remote.s32 $0x1  }
0xc2: {  	_ =	sfence.sel $0xFFFF  }
0xc3: {  	[dreg:$0x0] =	wrdreg $0xFFFFFFFF;
	(pc) =	sbr.abs _section_cstart, $3  }
0xc4: {  	[dreg:$0x1] =	wrdreg $0xFFFFFFFF  }
0xc5: {  	_ =	task.clear_ibuf [dreg:s9], $0x2FFFF;
	_ =	strace $0x9FFFFFFF  }
0xc6: {  	(tm) =	ssettm $0x7FFFFFFF  }
0xc7: {  	_ =	shalt  }
tec
execute0_lowered:
.L_overlay_start_1:
0x0: {  	(tag) =	ssettag $0x1  }
0x1: {  	s5 =	rddreg [dreg:$0x0]  }
0x2: {  	s4 =	rddreg [dreg:$0x1]  }
0x3: {  	s2 =	rddreg [dreg:$0x2]  }
0x4: {  	s6 =	rddreg [dreg:$0x3];
	s3 =	srdreg.scid  }
0x5: {  	s0 =	rddreg [dreg:$0x4];
	s1 =	stileid.u32;
	s11 =	simm.s32 $0x1080  }
0x6: {  	s12 =	simm.s32 $0x1880;
	s13 =	simm.s32 $0x2080;
	s14 =	simm.s32 $0x1  }
0x7: {  	s15 =	simm.s32 $0x4080;
	s16 =	simm.s32 $0x0;
	s7 =	sand.u32 $0x1, s3  }
0x8: {  	s3 =	simm.s32 $0x0;
	s9 =	sshll.u32 s1, $0x1;
	s8 =	ssub.s32 $0x2, s7  }
0x9: {  	[smem:$0x7FF] =	sst s3;
	s7 =	sor.u32 s7, s9;
	s10 =	sshrl.u32 s8, $0x1  }
0xa: {  	_ =	strace $0x80000047;
	s9 =	sshll.u32 s7, $0x2;
	s31 =	sshll.u32 s7, $0xA  }
0xb: {  	v2 =	vlaneseq.u32;
	s7 =	sshll.u32 s7, $0x4;
	s8 =	ssub.s32 s8, s10;
	s4 =	sadd.s32 s4, s9  }
0xc: {  	vm0 =	vmmov $0xffff;
	v1 =	vshrl.u32 v2, $0x3;
	s5 =	sadd.s32 s5, s31;
	s6 =	sadd.s32 s6, s7;
	s9 =	simm.s32 $0x80  }
0xd: {  	v0 =	vand.u32 $0x7, v2;
	v2 =	vor.u32 $0x8, v2;
	v1 =	vmul.u32 $0x8, v1;
	s10 =	simm.s32 $0x880;
	s7 =	smax.u32 s8, $0x1;
	s8 =	simm.s32 $0x2  }
.LBB2_1:
0xe: {  	[tilespmem:s3], [sflag:$0x2] =	stream.linear.gather [hbm4b:s4+s3], $0x20, $0x38;
	[tilespmem:$0x4100] =	vst v63  }
0xf: {  	_ =	swait.ge [sflag:s8], $0x20  }
0x10: {  	[sflag:s8] =	ssyncset.done $0x0  }
0x11: {  	[sflag:s8] =	ssyncadd.s32 $0xFFFFFFE0  }
0x12: {  	v3 =	vld [tilespmem:$0x0];
	_ =	sdelay $0x4  }
0x13: {  	v4 =	vshll.u32 v3, $0x1  }
0x14: {  	v3 =	vand.u32 $0x7, v3;
	v4 =	vand.u32 $0xFFFFFFF0, v4  }
0x15: {  	v3 =	vor.u32 v3, v4  }
0x16: {  	v4 =	vperm.xlane v3, v0;
	_ =	sdelay $0x1  }
0x17: {  	v3 =	vperm.xlane v3, v2;
	v4 =	vadd.s32 v1, v4;
	_ =	sdelay $0x1  }
0x18: {  	v3 =	vadd.s32 v1, v3;
	_ =	sdelay $0x2  }
0x19: {  	[tilespmem:s9], [sflag:$0x1] =	stream.indirect_vreg.gather [hbm4b:s2+s3], $0x80, v4, vm0, $0xb8;
	[tilespmem:$0x4100] =	vst v63  }
0x1a: {  	_ = 	snop  }
0x1b: {  	[tilespmem:s10], [sflag:$0x1] =	stream.indirect_vreg.gather [hbm4b:s2+s3], $0x80, v3, vm0, $0xb8;
	[tilespmem:$0x4100] =	vst v63  }
0x1c: {  	v3 =	vld [tilespmem:$0x10];
	_ =	sdelay $0x4  }
0x1d: {  	v4 =	vshll.u32 v3, $0x1  }
0x1e: {  	v3 =	vand.u32 $0x7, v3;
	v4 =	vand.u32 $0xFFFFFFF0, v4  }
0x1f: {  	v3 =	vor.u32 v3, v4  }
0x20: {  	v4 =	vperm.xlane v3, v0;
	_ =	sdelay $0x1  }
0x21: {  	v3 =	vperm.xlane v3, v2;
	v4 =	vadd.s32 v1, v4;
	_ =	sdelay $0x1  }
0x22: {  	v3 =	vadd.s32 v1, v3;
	_ =	sdelay $0x2  }
0x23: {  	[tilespmem:s11], [sflag:$0x1] =	stream.indirect_vreg.gather [hbm4b:s2+s3], $0x80, v4, vm0, $0xb8;
	[tilespmem:$0x4100] =	vst v63  }
0x24: {  	_ = 	snop  }
0x25: {  	[tilespmem:s12], [sflag:$0x1] =	stream.indirect_vreg.gather [hbm4b:s2+s3], $0x80, v3, vm0, $0xb8;
	[tilespmem:$0x4100] =	vst v63  }
0x26: {  	_ = 	snop  }
0x27: {  	[tilespmem:s13], [sflag:$0x2] =	stream.linear.gather [hbm4b:s5+s3], $0x2000, $0x38;
	[tilespmem:$0x4100] =	vst v63  }
0x28: {  	_ =	swait.ge [sflag:s8], $0x2000  }
0x29: {  	[sflag:s8] =	ssyncset.done $0x0  }
0x2a: {  	[sflag:s8] =	ssyncadd.s32 $0xFFFFE000  }
0x2b: {  	_ =	swait.ge [sflag:s14], $0x2000  }
0x2c: {  	s17 =	sand.u32 $0x1800, s3;
	s18 =	sand.u32 $0x380, s3;
	[sflag:s14] =	ssyncset.done $0x0  }
0x2d: {  	s20 =	sor.u32 s18, s17;
	[sflag:s14] =	ssyncadd.s32 $0xFFFFE000  }
0x2e: {  	v3 =	vld [tilespmem:s20+$0x2080]  }
0x2f: {  	v4 =	vld [tilespmem:s20+$0x80]  }
0x30: {  	v5 =	vld [tilespmem:s20+$0x2090]  }
0x31: {  	v6 =	vld [tilespmem:s20+$0x90]  }
0x32: {  	v7 =	vld [tilespmem:s20+$0x20A0]  }
0x33: {  	v8 =	vld [tilespmem:s20+$0xA0]  }
0x34: {  	v9 =	vld [tilespmem:s20+$0x20B0];
	v3 =	vsub.f32 v3, v4  }
0x35: {  	v4 =	vld [tilespmem:s20+$0xB0]  }
0x36: {  	v10 =	vld [tilespmem:s20+$0x20C0];
	v5 =	vsub.f32 v5, v6;
	v3 =	vmul.f32 v3, v3  }
0x37: {  	v11 =	vimm.f32 $0.0e+00;
	v6 =	vld [tilespmem:s20+$0xC0]  }
0x38: {  	v12 =	vld [tilespmem:s20+$0x20D0];
	v7 =	vsub.f32 v7, v8;
	v5 =	vmul.f32 v5, v5;
	v3 =	vadd.f32 v3, v11  }
0x39: {  	v8 =	vld [tilespmem:s20+$0xD0]  }
0x3a: {  	v11 =	vld [tilespmem:s20+$0x20E0];
	v4 =	vsub.f32 v9, v4;
	v3 =	vadd.f32 v5, v3;
	v5 =	vmul.f32 v7, v7  }
0x3b: {  	v7 =	vld [tilespmem:s20+$0xE0]  }
0x3c: {  	v9 =	vld [tilespmem:s20+$0x20F0];
	v4 =	vmul.f32 v4, v4;
	v3 =	vadd.f32 v5, v3;
	v5 =	vsub.f32 v10, v6  }
0x3d: {  	v6 =	vld [tilespmem:s20+$0xF0]  }
0x3e: {  	v10 =	vld [tilespmem:s20+$0x2480];
	v3 =	vadd.f32 v4, v3;
	v4 =	vmul.f32 v5, v5;
	v5 =	vsub.f32 v12, v8  }
0x3f: {  	v8 =	vld [tilespmem:s20+$0x480]  }
0x40: {  	v62 =	vld [tilespmem:s20+$0x2490];
	v3 =	vadd.f32 v4, v3;
	v4 =	vmul.f32 v5, v5;
	v5 =	vsub.f32 v11, v7  }
0x41: {  	v7 =	vld [tilespmem:s20+$0x490]  }
0x42: {  	v11 =	vld [tilespmem:s20+$0x24A0];
	v3 =	vadd.f32 v4, v3;
	v4 =	vmul.f32 v5, v5;
	v5 =	vsub.f32 v9, v6  }
0x43: {  	v6 =	vld [tilespmem:s20+$0x4A0]  }
0x44: {  	v9 =	vld [tilespmem:s20+$0x24B0];
	v3 =	vadd.f32 v4, v3;
	v4 =	vmul.f32 v5, v5;
	v5 =	vsub.f32 v10, v8  }
0x45: {  	v8 =	vld [tilespmem:s20+$0x4B0]  }
0x46: {  	v13 =	vld [tilespmem:s20+$0x24C0];
	v7 =	vsub.f32 v62, v7;
	v4 =	vadd.f32 v4, v3;
	v5 =	vmul.f32 v5, v5  }
0x47: {  	v63 =	vld [tilespmem:s20+$0x4C0]  }
0x48: {  	v3 =	vld [tilespmem:s20+$0x24D0];
	v7 =	vmul.f32 v7, v7;
	v6 =	vsub.f32 v11, v6;
	v10 =	vadd.f32 v5, v4  }
0x49: {  	v5 =	vld [tilespmem:s20+$0x4D0]  }
0x4a: {  	v4 =	vld [tilespmem:s20+$0x24E0];
	v11 =	vmul.f32 v6, v6;
	v8 =	vsub.f32 v9, v8;
	v10 =	vadd.f32 v7, v10  }
0x4b: {  	s31 =	simm.s32 $0x100;
	s18 =	simm.s32 $0x80;
	v6 =	vld [tilespmem:s20+$0x4E0]  }
0x4c: {  	s17 =	sand.u32 $0x1800, s31;
	s19 =	sand.u32 $0x380, s18;
	v7 =	vld [tilespmem:s20+$0x24F0];
	v9 =	vadd.f32 v11, v10;
	v10 =	vmul.f32 v8, v8;
	v11 =	vsub.f32 v13, v63  }
0x4d: {  	s17 =	sor.u32 s19, s17;
	s19 =	simm.s32 $0x200;
	v8 =	vld [tilespmem:s20+$0x4F0]  }
.LBB2_2:
0x4e: {  	p0 =	sne.s32 s19, $0x1F00;
	v12 =	vld [tilespmem:s17+$0x2080];
	v9 =	vadd.f32 v10, v9;
	v10 =	vmul.f32 v11, v11;
	v3 =	vsub.f32 v3, v5  }
0x4f: {  	v5 =	vld [tilespmem:s17+$0x80]  }
0x50: {  	v11 =	vld [tilespmem:s17+$0x2090];
	v9 =	vadd.f32 v10, v9;
	v3 =	vmul.f32 v3, v3;
	v4 =	vsub.f32 v4, v6  }
0x51: {  	v6 =	vld [tilespmem:s17+$0x90]  }
0x52: {  	v10 =	vld [tilespmem:s17+$0x20A0];
	v3 =	vadd.f32 v3, v9;
	v4 =	vmul.f32 v4, v4;
	v7 =	vsub.f32 v7, v8  }
0x53: {  	v8 =	vld [tilespmem:s17+$0xA0]  }
0x54: {  	v5 =	vsub.f32 v12, v5;
	v9 =	vld [tilespmem:s17+$0x20B0];
	v3 =	vadd.f32 v4, v3;
	v4 =	vmul.f32 v7, v7  }
0x55: {  	v7 =	vld [tilespmem:s17+$0xB0]  }
0x56: {  	v5 =	vmul.f32 v5, v5;
	v6 =	vsub.f32 v11, v6;
	v11 =	vld [tilespmem:s17+$0x20C0];
	v3 =	vadd.f32 v4, v3  }
0x57: {  	v4 =	vld [tilespmem:s17+$0xC0]  }
0x58: {  	v3 =	vadd.f32 v5, v3;
	v5 =	vmul.f32 v6, v6;
	v6 =	vsub.f32 v10, v8;
	v8 =	vld [tilespmem:s17+$0x20D0]  }
0x59: {  	v10 =	vld [tilespmem:s17+$0xD0]  }
0x5a: {  	v3 =	vadd.f32 v5, v3;
	v5 =	vmul.f32 v6, v6;
	v6 =	vsub.f32 v9, v7;
	v7 =	vld [tilespmem:s17+$0x20E0]  }
0x5b: {  	v9 =	vld [tilespmem:s17+$0xE0]  }
0x5c: {  	v3 =	vadd.f32 v5, v3;
	v5 =	vmul.f32 v6, v6;
	v4 =	vsub.f32 v11, v4;
	v6 =	vld [tilespmem:s17+$0x20F0]  }
0x5d: {  	v11 =	vld [tilespmem:s17+$0xF0]  }
0x5e: {  	v3 =	vadd.f32 v5, v3;
	v4 =	vmul.f32 v4, v4;
	v5 =	vsub.f32 v8, v10;
	v8 =	vld [tilespmem:s17+$0x2480]  }
0x5f: {  	v10 =	vld [tilespmem:s17+$0x480]  }
0x60: {  	v3 =	vadd.f32 v4, v3;
	v4 =	vmul.f32 v5, v5;
	v5 =	vsub.f32 v7, v9;
	v7 =	vld [tilespmem:s17+$0x2490]  }
0x61: {  	v9 =	vld [tilespmem:s17+$0x490]  }
0x62: {  	v3 =	vadd.f32 v4, v3;
	v4 =	vmul.f32 v5, v5;
	v5 =	vsub.f32 v6, v11;
	v6 =	vld [tilespmem:s17+$0x24A0]  }
0x63: {  	v11 =	vld [tilespmem:s17+$0x4A0]  }
0x64: {  	v3 =	vadd.f32 v4, v3;
	v4 =	vmul.f32 v5, v5;
	v5 =	vsub.f32 v8, v10;
	v8 =	vld [tilespmem:s17+$0x24B0]  }
0x65: {  	v10 =	vld [tilespmem:s17+$0x4B0]  }
0x66: {  	v3 =	vadd.f32 v4, v3;
	v4 =	vmul.f32 v5, v5;
	v5 =	vsub.f32 v7, v9;
	v7 =	vld [tilespmem:s17+$0x24C0]  }
0x67: {  	v12 =	vld [tilespmem:s17+$0x4C0]  }
0x68: {  	v4 =	vadd.f32 v4, v3;
	v9 =	vmul.f32 v5, v5;
	v6 =	vsub.f32 v6, v11;
	v3 =	vld [tilespmem:s17+$0x24D0]  }
.Ltmp0:
0x69: {  	v5 =	vld [tilespmem:s17+$0x4D0];
	(pc) =	sbr.rel @p0 .LBB2_2-.Ltmp0, $4  }
0x6a: {  	v9 =	vadd.f32 v9, v4;
	v11 =	vmul.f32 v6, v6;
	v8 =	vsub.f32 v8, v10;
	v4 =	vld [tilespmem:s17+$0x24E0]  }
0x6b: {  	s18 =	sadd.s32 $0x80, s18;
	v6 =	vld [tilespmem:s17+$0x4E0]  }
0x6c: {  	s20 =	sand.u32 $0x1800, s19;
	s21 =	sand.u32 $0x380, s18;
	v9 =	vadd.f32 v11, v9;
	v10 =	vmul.f32 v8, v8;
	v11 =	vsub.f32 v7, v12;
	v7 =	vld [tilespmem:s17+$0x24F0]  }
0x6d: {  	s19 =	sadd.s32 $0x100, s19;
	v8 =	vld [tilespmem:s17+$0x4F0];
	s17 =	sor.u32 s21, s20  }
0x6e: {  	v12 =	vld [tilespmem:s17+$0x2080];
	v9 =	vadd.f32 v10, v9;
	v56 =	vmul.f32 v11, v11;
	v3 =	vsub.f32 v3, v5  }
0x6f: {  	v57 =	vld [tilespmem:s17+$0x80]  }
0x70: {  	v58 =	vld [tilespmem:s17+$0x2090];
	v9 =	vadd.f32 v56, v9;
	v3 =	vmul.f32 v3, v3;
	v4 =	vsub.f32 v4, v6  }
0x71: {  	v59 =	vld [tilespmem:s17+$0x90]  }
0x72: {  	v60 =	vld [tilespmem:s17+$0x20A0];
	v3 =	vadd.f32 v3, v9;
	v4 =	vmul.f32 v4, v4;
	v7 =	vsub.f32 v7, v8  }
0x73: {  	v61 =	vld [tilespmem:s17+$0xA0]  }
0x74: {  	v62 =	vld [tilespmem:s17+$0x20B0];
	v5 =	vsub.f32 v12, v57;
	v3 =	vadd.f32 v4, v3;
	v63 =	vmul.f32 v7, v7  }
0x75: {  	v12 =	vld [tilespmem:s17+$0xB0]  }
0x76: {  	v13 =	vld [tilespmem:s17+$0x20C0];
	v6 =	vsub.f32 v58, v59;
	v5 =	vmul.f32 v5, v5;
	v3 =	vadd.f32 v63, v3  }
0x77: {  	v14 =	vld [tilespmem:s17+$0xC0]  }
0x78: {  	v17 =	vld [tilespmem:s17+$0x20D0];
	v16 =	vsub.f32 v60, v61;
	v15 =	vmul.f32 v6, v6;
	v3 =	vadd.f32 v5, v3  }
0x79: {  	v18 =	vld [tilespmem:s17+$0xD0]  }
0x7a: {  	v21 =	vld [tilespmem:s17+$0x20E0];
	v19 =	vmul.f32 v16, v16;
	v20 =	vsub.f32 v62, v12;
	v3 =	vadd.f32 v15, v3  }
0x7b: {  	v22 =	vld [tilespmem:s17+$0xE0]  }
0x7c: {  	v24 =	vld [tilespmem:s17+$0x20F0];
	v4 =	vsub.f32 v13, v14;
	v23 =	vmul.f32 v20, v20;
	v3 =	vadd.f32 v19, v3  }
0x7d: {  	v25 =	vld [tilespmem:s17+$0xF0]  }
0x7e: {  	v27 =	vld [tilespmem:s17+$0x2480];
	v26 =	vsub.f32 v17, v18;
	v4 =	vmul.f32 v4, v4;
	v3 =	vadd.f32 v23, v3  }
0x7f: {  	v28 =	vld [tilespmem:s17+$0x480]  }
0x80: {  	v31 =	vld [tilespmem:s17+$0x2490];
	v30 =	vsub.f32 v21, v22;
	v29 =	vmul.f32 v26, v26;
	v3 =	vadd.f32 v4, v3  }
0x81: {  	v32 =	vld [tilespmem:s17+$0x490]  }
0x82: {  	v35 =	vld [tilespmem:s17+$0x24A0];
	v34 =	vsub.f32 v24, v25;
	v33 =	vmul.f32 v30, v30;
	v3 =	vadd.f32 v29, v3  }
0x83: {  	v36 =	vld [tilespmem:s17+$0x4A0]  }
0x84: {  	v39 =	vld [tilespmem:s17+$0x24B0];
	v38 =	vsub.f32 v27, v28;
	v37 =	vmul.f32 v34, v34;
	v3 =	vadd.f32 v33, v3  }
0x85: {  	v40 =	vld [tilespmem:s17+$0x4B0]  }
0x86: {  	v43 =	vld [tilespmem:s17+$0x24C0];
	v42 =	vsub.f32 v31, v32;
	v41 =	vmul.f32 v38, v38;
	v3 =	vadd.f32 v37, v3  }
0x87: {  	v44 =	vld [tilespmem:s17+$0x4C0]  }
0x88: {  	v47 =	vld [tilespmem:s17+$0x24D0];
	v46 =	vsub.f32 v35, v36;
	v45 =	vmul.f32 v42, v42;
	v3 =	vadd.f32 v41, v3  }
0x89: {  	v48 =	vld [tilespmem:s17+$0x4D0]  }
0x8a: {  	v51 =	vld [tilespmem:s17+$0x24E0];
	v50 =	vsub.f32 v39, v40;
	v49 =	vmul.f32 v46, v46;
	v3 =	vadd.f32 v45, v3  }
0x8b: {  	v52 =	vld [tilespmem:s17+$0x4E0]  }
0x8c: {  	v55 =	vld [tilespmem:s17+$0x24F0];
	v54 =	vsub.f32 v43, v44;
	v53 =	vmul.f32 v50, v50;
	v3 =	vadd.f32 v49, v3  }
0x8d: {  	v56 =	vld [tilespmem:s17+$0x4F0]  }
0x8e: {  	v58 =	vsub.f32 v47, v48;
	v57 =	vmul.f32 v54, v54;
	v3 =	vadd.f32 v53, v3;
	_ =	sdelay $0x1  }
0x8f: {  	v60 =	vsub.f32 v51, v52;
	v59 =	vmul.f32 v58, v58;
	v3 =	vadd.f32 v57, v3;
	_ =	sdelay $0x1  }
0x90: {  	v61 =	vmul.f32 v60, v60;
	v62 =	vsub.f32 v55, v56;
	v3 =	vadd.f32 v59, v3;
	_ =	sdelay $0x1  }
0x91: {  	v63 =	vmul.f32 v62, v62;
	v3 =	vadd.f32 v61, v3;
	_ =	sdelay $0x1  }
0x92: {  	s16 =	sadd.s32 $0x1, s16;
	v3 =	vadd.f32 v63, v3  }
0x93: {  	p0 =	sne.s32 s16, s7  }
.Ltmp1:
0x94: {  	[tilespmem:$0x4080] =	vst v3;
	(pc) =	sbr.rel @p0 .LBB2_1-.Ltmp1, $4  }
0x95: {  	[hbm4b:s6+s3] =	stream.linear.scatter [tilespmem:s15], [sflag:$0x2], $0x80, $0x38;
	[tilespmem:$0x4100] =	vst v63  }
0x96: {  	_ =	swait.ge [sflag:s8], $0x80  }
0x97: {  	[sflag:s8] =	ssyncset.done $0x0  }
0x98: {  	[sflag:s8] =	ssyncadd.s32 $0xFFFFFF80  }
0x99: {  	_ =	sfence.sel $0x180000  }
0x9a: {  	[bflag:$0x0] =	sbarrier.arrive $0xFFFF  }
0x9b: {  	p0 =	sne.s32 s1, $0x0;
	_ =	strace $0x90000047  }
0x9c: {  	s0 =	sadd.s32 @!p0 $0x100000, s0;
	[bflag:$0x2] =	sbarrier.arrive $0xFFFF  }
0x9d: {  	[sflag:s0] =	ssyncadd.tile.s32 @!p0 $0x1;
	_ =	shalt  }
.Lfunc_end2:
_tile_overlayer_lowered:
.L_overlay_start_2:
0x9e: {  	(tag) =	ssettag $0x2  }
0x9f: {  	s0 =	rddreg [dreg:$0x0];
	s2 =	stileid.u32  }
0xa0: {  	s1 =	rddreg [dreg:$0x1];
	p0 =	sne.s32 s2, $0x0  }
0xa1: {  	s3 =	rddreg [dreg:$0x2];
	[bflag:$0x3] =	sbarrier.arrive $0xFFFF;
	s2 =	simm.s32 @!p0 $0x1C02  }
0xa2: {  	[timem:s3], [sflag:s2] =	dma.local @!p0 [hbm:s0], s1  }
0xa3: {  	s0 =	simm.s32 @!p0 $0x2  }
0xa4: {  	_ =	swait.ge @!p0 [sflag:s0], s1  }
0xa5: {  	s1 =	ssub.s32 @!p0 $0x0, s1;
	[sflag:s0] =	ssyncset.done @!p0 $0x0  }
0xa6: {  	[sflag:s0] =	ssyncadd.s32 @!p0 s1  }
0xa7: {  	[bflag:$0x3] =	sbarrier.arrive $0xFFFF  }
0xa8: {  	_ =	shalt  }

</sc_bundles>
